<compile_context>
chip_gen: v7x
topology: tpu7x:2x2x1
jax: 0.10.2.dev20260603
libtpu: 0.0.44.dev20260713+nightly
codegen_flags: <defaults>
</compile_context>

<pallas_src>
import functools

import jax
import jax.numpy as jnp
from jax import lax
from jax.experimental import pallas as pl
from jax.experimental.pallas import tpu as pltpu
from jax.experimental.pallas import tpu_sc as plsc


def _sc_gather(flat_src, table, *, num_workers, chunk):
    B = flat_src.shape[0]
    D = table.shape[1]
    b_per_w = B // num_workers
    nchunks = b_per_w // chunk

    assert nchunks % 2 == 0
    mesh = plsc.VectorSubcoreMesh(core_axis_name="c", subcore_axis_name="s")

    @functools.partial(
        pl.kernel,
        mesh=mesh,
        out_type=jax.ShapeDtypeStruct((B, D), jnp.float32),
        scratch_types=[
            pltpu.VMEM((chunk,), jnp.int32),
            pltpu.VMEM((chunk,), jnp.int32),
            pltpu.VMEM((chunk, D), jnp.float32),
            pltpu.VMEM((chunk, D), jnp.float32),
            pltpu.SemaphoreType.DMA,
            pltpu.SemaphoreType.DMA,
            pltpu.SemaphoreType.DMA,
            pltpu.SemaphoreType.DMA,
        ],
        compiler_params=pltpu.CompilerParams(use_tc_tiling_on_sc=False),
    )
    def emb_kernel(
        src_hbm, table_hbm, out_hbm,
        idx0, idx1, rows0, rows1, gsem0, gsem1, ssem0, ssem1,
    ):
        wid = lax.axis_index("s") * 2 + lax.axis_index("c")
        wbase = wid * b_per_w
        bufs = ((idx0, rows0, gsem0, ssem0), (idx1, rows1, gsem1, ssem1))

        for b, (idx_v, rows_v, gsem, _) in enumerate(bufs):
            pltpu.sync_copy(src_hbm.at[pl.ds(wbase + b * chunk, chunk)], idx_v)
            pltpu.async_copy(table_hbm.at[idx_v], rows_v, gsem)

        def pair_body(h, carry):
            for b, (idx_v, rows_v, gsem, ssem) in enumerate(bufs):
                g = h * 2 + b
                base = wbase + g * chunk
                pltpu.make_async_copy(table_hbm.at[idx_v], rows_v, gsem).wait()
                pltpu.async_copy(rows_v, out_hbm.at[pl.ds(base, chunk)], ssem)

                @pl.when(g + 2 < nchunks)
                def _():
                    nbase = base + 2 * chunk
                    pltpu.make_async_copy(
                        rows_v, out_hbm.at[pl.ds(base, chunk)], ssem
                    ).wait()
                    pltpu.sync_copy(src_hbm.at[pl.ds(nbase, chunk)], idx_v)
                    pltpu.async_copy(table_hbm.at[idx_v], rows_v, gsem)

            return carry

        lax.fori_loop(0, nchunks // 2, pair_body, 0)
        for b, (idx_v, rows_v, _, ssem) in enumerate(bufs):
            base = wbase + (nchunks - 2 + b) * chunk
            pltpu.make_async_copy(
                rows_v, out_hbm.at[pl.ds(base, chunk)], ssem
            ).wait()

    return emb_kernel(flat_src, table)


def kernel(src, table):
    V, D = table.shape
    B, T = src.shape
    flat = src.T.reshape(-1).astype(jnp.int32)
    out = _sc_gather(flat, table, num_workers=32, chunk=1600)
    om = out.reshape(T, B, D)
    mid = jax.lax.optimization_barrier(om.transpose(0, 2, 1))
    return mid.transpose(2, 0, 1)

# --- scband reference (transcript-rebuilt; emitter-appended) ---
"""Pipeline reference for scband-word-embedding-28363964022844 (READ-ONLY COPY).

The authoritative reference and input builder live on the scoring server;
editing this copy changes nothing except your own understanding.
"""

import jax, jax.numpy as jnp
import numpy as np

VOCAB = 1000000
EMB = 32

def setup_inputs(seed: int = 0) -> dict:
    key = jax.random.key(seed)
    k1, k2 = jax.random.split(key)
    src = jax.random.randint(k1, (4096, 200), 0, VOCAB, dtype=jnp.int64 if jax.config.jax_enable_x64 else jnp.int32)
    table = jax.random.normal(k2, (VOCAB, EMB), dtype=jnp.float32)
    return {"src": src, "table": table}

def reference(src, table):
    # nn.Embedding forward: gather rows of the table by index
    emb = jnp.take(table, src, axis=0)
    return emb

if __name__ == "__main__":
    import jax
    _d = setup_inputs()
    print(jax.jit(kernel)(*tuple(_d.values())))

</pallas_src>

<mosaic_0001>
#map = affine_map<(d0, d1) -> (0)>
#map1 = affine_map<(d0, d1) -> (0, 0)>
module attributes {stable_mosaic.version = 14 : i64} {
  func.func @emb_kernel(%arg0: i32, %arg1: i32, %arg2: memref<819200xi32, #tpu.memory_space<hbm>>, %arg3: memref<1000000x32xf32, #tpu.memory_space<hbm>>, %arg4: memref<819200x32xf32, #tpu.memory_space<hbm>>, %arg5: memref<1600xi32, #tpu.memory_space<vmem>>, %arg6: memref<1600xi32, #tpu.memory_space<vmem>>, %arg7: memref<1600x32xf32, #tpu.memory_space<vmem>>, %arg8: memref<1600x32xf32, #tpu.memory_space<vmem>>, %arg9: memref<!tpu.dma_semaphore, #tpu.memory_space<semaphore_mem>>, %arg10: memref<!tpu.dma_semaphore, #tpu.memory_space<semaphore_mem>>, %arg11: memref<!tpu.dma_semaphore, #tpu.memory_space<semaphore_mem>>, %arg12: memref<!tpu.dma_semaphore, #tpu.memory_space<semaphore_mem>>) attributes {dimension_semantics = [#tpu.dimension_semantics<core_parallel>, #tpu.dimension_semantics<subcore_parallel>], iteration_bounds = array<i64: 2, 16>, scalar_prefetch = 0 : i64, scratch_operands = 8 : i64, tpu.core_type = #tpu.core_type<sc_vector_subcore>, window_params = [{transform_indices = #map}, {transform_indices = #map1}, {transform_indices = #map1}]} {
    %mul3A = arith.constant 2 : i32
    %mul3A_0 = arith.muli %arg1, %mul3A : i32
    %add3A = arith.addi %mul3A_0, %arg0 : i32
    %mul3A_1 = arith.constant 25600 : i32
    %mul3A_2 = arith.muli %add3A, %mul3A_1 : i32
    %add3A_3 = arith.constant 0 : i32
    %add3A_4 = arith.addi %mul3A_2, %add3A_3 : i32
    "tpu.region"() ({
      %run_scoped3A = tpu.sem_alloc : memref<!tpu.dma_semaphore, #tpu.memory_space<semaphore_mem>>
      %dma_start3A_28 = tpu.memref_slice %arg2[%add3A_4] : memref<819200xi32, #tpu.memory_space<hbm>> -> memref<1600xi32, #tpu.memory_space<hbm>>
      %dma_start3A_29 = tpu.memref_slice %arg2[%add3A_4] : memref<819200xi32, #tpu.memory_space<hbm>> -> memref<1600xi32, #tpu.memory_space<hbm>>
      tpu.enqueue_dma source(%dma_start3A_29 : memref<1600xi32, #tpu.memory_space<hbm>>) target(%arg5 : memref<1600xi32, #tpu.memory_space<vmem>>) target_semaphore(%run_scoped3A : memref<!tpu.dma_semaphore, #tpu.memory_space<semaphore_mem>>)
      %dma_wait3A_30 = tpu.memref_slice %arg2[%add3A_4] : memref<819200xi32, #tpu.memory_space<hbm>> -> memref<1600xi32, #tpu.memory_space<hbm>>
      %dma_wait3A_31 = tpu.memref_slice %arg2[%add3A_4] : memref<819200xi32, #tpu.memory_space<hbm>> -> memref<1600xi32, #tpu.memory_space<hbm>>
      tpu.wait_dma2 semaphore(%run_scoped3A : memref<!tpu.dma_semaphore, #tpu.memory_space<semaphore_mem>>) src(%dma_wait3A_31 : memref<1600xi32, #tpu.memory_space<hbm>>) dst(%arg5 : memref<1600xi32, #tpu.memory_space<vmem>>)
      tpu.yield
    }) : () -> ()
    %dma_start3A = arith.constant 0 : i32
    %dma_start3A_5 = arith.constant 0 : i32
    %dma_start3A_6 = tpu.memref_slice %arg3[%dma_start3A, %dma_start3A_5] : memref<1000000x32xf32, #tpu.memory_space<hbm>> -> memref<1000000x32xf32, #tpu.memory_space<hbm>>
    tpu.enqueue_indirect_dma source(%dma_start3A_6 : memref<1000000x32xf32, #tpu.memory_space<hbm>>) target(%arg7 : memref<1600x32xf32, #tpu.memory_space<vmem>>) offsets(%arg5 : memref<1600xi32, #tpu.memory_space<vmem>>) semaphore(%arg9 : memref<!tpu.dma_semaphore, #tpu.memory_space<semaphore_mem>>)
    %add3A_7 = arith.constant 1600 : i32
    %add3A_8 = arith.addi %mul3A_2, %add3A_7 : i32
    "tpu.region"() ({
      %run_scoped3A = tpu.sem_alloc : memref<!tpu.dma_semaphore, #tpu.memory_space<semaphore_mem>>
      %dma_start3A_28 = tpu.memref_slice %arg2[%add3A_8] : memref<819200xi32, #tpu.memory_space<hbm>> -> memref<1600xi32, #tpu.memory_space<hbm>>
      %dma_start3A_29 = tpu.memref_slice %arg2[%add3A_8] : memref<819200xi32, #tpu.memory_space<hbm>> -> memref<1600xi32, #tpu.memory_space<hbm>>
      tpu.enqueue_dma source(%dma_start3A_29 : memref<1600xi32, #tpu.memory_space<hbm>>) target(%arg6 : memref<1600xi32, #tpu.memory_space<vmem>>) target_semaphore(%run_scoped3A : memref<!tpu.dma_semaphore, #tpu.memory_space<semaphore_mem>>)
      %dma_wait3A_30 = tpu.memref_slice %arg2[%add3A_8] : memref<819200xi32, #tpu.memory_space<hbm>> -> memref<1600xi32, #tpu.memory_space<hbm>>
      %dma_wait3A_31 = tpu.memref_slice %arg2[%add3A_8] : memref<819200xi32, #tpu.memory_space<hbm>> -> memref<1600xi32, #tpu.memory_space<hbm>>
      tpu.wait_dma2 semaphore(%run_scoped3A : memref<!tpu.dma_semaphore, #tpu.memory_space<semaphore_mem>>) src(%dma_wait3A_31 : memref<1600xi32, #tpu.memory_space<hbm>>) dst(%arg6 : memref<1600xi32, #tpu.memory_space<vmem>>)
      tpu.yield
    }) : () -> ()
    %dma_start3A_9 = arith.constant 0 : i32
    %dma_start3A_10 = arith.constant 0 : i32
    %dma_start3A_11 = tpu.memref_slice %arg3[%dma_start3A_9, %dma_start3A_10] : memref<1000000x32xf32, #tpu.memory_space<hbm>> -> memref<1000000x32xf32, #tpu.memory_space<hbm>>
    tpu.enqueue_indirect_dma source(%dma_start3A_11 : memref<1000000x32xf32, #tpu.memory_space<hbm>>) target(%arg8 : memref<1600x32xf32, #tpu.memory_space<vmem>>) offsets(%arg6 : memref<1600xi32, #tpu.memory_space<vmem>>) semaphore(%arg10 : memref<!tpu.dma_semaphore, #tpu.memory_space<semaphore_mem>>)
    %scan3A = arith.constant 0 : i32
    %scan3A_12 = arith.constant 0 : i32
    %scan3A_13 = arith.constant 8 : i32
    %scan3A_14 = arith.addi %scan3A_12, %scan3A_13 : i32
    %scan3A_15 = arith.constant 1 : i32
    scf.for %scan3A_28 = %scan3A_12 to %scan3A_14 step %scan3A_15  : i32 {
      %mul3A_29 = arith.constant 2 : i32
      %mul3A_30 = arith.muli %scan3A_28, %mul3A_29 : i32
      %add3A_31 = arith.constant 0 : i32
      %add3A_32 = arith.addi %mul3A_30, %add3A_31 : i32
      %mul3A_33 = arith.constant 1600 : i32
      %mul3A_34 = arith.muli %add3A_32, %mul3A_33 : i32
      %add3A_35 = arith.addi %mul3A_2, %mul3A_34 : i32
      %dma_wait3A_36 = arith.constant 0 : i32
      %dma_wait3A_37 = arith.constant 0 : i32
      %dma_wait3A_38 = tpu.memref_slice %arg3[%dma_wait3A_36, %dma_wait3A_37] : memref<1000000x32xf32, #tpu.memory_space<hbm>> -> memref<1000000x32xf32, #tpu.memory_space<hbm>>
      tpu.wait_indirect_dma semaphore(%arg9 : memref<!tpu.dma_semaphore, #tpu.memory_space<semaphore_mem>>) src(%dma_wait3A_38 : memref<1000000x32xf32, #tpu.memory_space<hbm>>) dst(%arg7 : memref<1600x32xf32, #tpu.memory_space<vmem>>)
      %dma_start3A_39 = arith.constant 0 : i32
      %dma_start3A_40 = tpu.memref_slice %arg4[%add3A_35, %dma_start3A_39] : memref<819200x32xf32, #tpu.memory_space<hbm>> -> memref<1600x32xf32, #tpu.memory_space<hbm>>
      %dma_start3A_41 = arith.constant 0 : i32
      %dma_start3A_42 = tpu.memref_slice %arg4[%add3A_35, %dma_start3A_41] : memref<819200x32xf32, #tpu.memory_space<hbm>> -> memref<1600x32xf32, #tpu.memory_space<hbm>>
      tpu.enqueue_dma source(%arg7 : memref<1600x32xf32, #tpu.memory_space<vmem>>) target(%dma_start3A_42 : memref<1600x32xf32, #tpu.memory_space<hbm>>) target_semaphore(%arg11 : memref<!tpu.dma_semaphore, #tpu.memory_space<semaphore_mem>>)
      %add3A_43 = arith.constant 2 : i32
      %add3A_44 = arith.addi %add3A_32, %add3A_43 : i32
      %lt3A = arith.constant 16 : i32
      %lt3A_45 = arith.cmpi slt, %add3A_44, %lt3A : i32
      %convert_element_type3A = arith.extui %lt3A_45 : i1 to i32
      %cond3A = arith.constant 0 : i32
      %cond3A_46 = arith.cmpi ne, %convert_element_type3A, %cond3A : i32
      scf.if %cond3A_46 {
        %add3A_68 = arith.constant 3200 : i32
        %add3A_69 = arith.addi %add3A_35, %add3A_68 : i32
        %dma_wait3A_70 = arith.constant 0 : i32
        %dma_wait3A_71 = tpu.memref_slice %arg4[%add3A_35, %dma_wait3A_70] : memref<819200x32xf32, #tpu.memory_space<hbm>> -> memref<1600x32xf32, #tpu.memory_space<hbm>>
        %dma_wait3A_72 = arith.constant 0 : i32
        %dma_wait3A_73 = tpu.memref_slice %arg4[%add3A_35, %dma_wait3A_72] : memref<819200x32xf32, #tpu.memory_space<hbm>> -> memref<1600x32xf32, #tpu.memory_space<hbm>>
        tpu.wait_dma2 semaphore(%arg11 : memref<!tpu.dma_semaphore, #tpu.memory_space<semaphore_mem>>) src(%arg7 : memref<1600x32xf32, #tpu.memory_space<vmem>>) dst(%dma_wait3A_73 : memref<1600x32xf32, #tpu.memory_space<hbm>>)
        "tpu.region"() ({
          %run_scoped3A = tpu.sem_alloc : memref<!tpu.dma_semaphore, #tpu.memory_space<semaphore_mem>>
          %dma_start3A_77 = tpu.memref_slice %arg2[%add3A_69] : memref<819200xi32, #tpu.memory_space<hbm>> -> memref<1600xi32, #tpu.memory_space<hbm>>
          %dma_start3A_78 = tpu.memref_slice %arg2[%add3A_69] : memref<819200xi32, #tpu.memory_space<hbm>> -> memref<1600xi32, #tpu.memory_space<hbm>>
          tpu.enqueue_dma source(%dma_start3A_78 : memref<1600xi32, #tpu.memory_space<hbm>>) target(%arg5 : memref<1600xi32, #tpu.memory_space<vmem>>) target_semaphore(%run_scoped3A : memref<!tpu.dma_semaphore, #tpu.memory_space<semaphore_mem>>)
          %dma_wait3A_79 = tpu.memref_slice %arg2[%add3A_69] : memref<819200xi32, #tpu.memory_space<hbm>> -> memref<1600xi32, #tpu.memory_space<hbm>>
          %dma_wait3A_80 = tpu.memref_slice %arg2[%add3A_69] : memref<819200xi32, #tpu.memory_space<hbm>> -> memref<1600xi32, #tpu.memory_space<hbm>>
          tpu.wait_dma2 semaphore(%run_scoped3A : memref<!tpu.dma_semaphore, #tpu.memory_space<semaphore_mem>>) src(%dma_wait3A_80 : memref<1600xi32, #tpu.memory_space<hbm>>) dst(%arg5 : memref<1600xi32, #tpu.memory_space<vmem>>)
          tpu.yield
        }) : () -> ()
        %dma_start3A_74 = arith.constant 0 : i32
        %dma_start3A_75 = arith.constant 0 : i32
        %dma_start3A_76 = tpu.memref_slice %arg3[%dma_start3A_74, %dma_start3A_75] : memref<1000000x32xf32, #tpu.memory_space<hbm>> -> memref<1000000x32xf32, #tpu.memory_space<hbm>>
        tpu.enqueue_indirect_dma source(%dma_start3A_76 : memref<1000000x32xf32, #tpu.memory_space<hbm>>) target(%arg7 : memref<1600x32xf32, #tpu.memory_space<vmem>>) offsets(%arg5 : memref<1600xi32, #tpu.memory_space<vmem>>) semaphore(%arg9 : memref<!tpu.dma_semaphore, #tpu.memory_space<semaphore_mem>>)
      } else {
      }
      %mul3A_47 = arith.constant 2 : i32
      %mul3A_48 = arith.muli %scan3A_28, %mul3A_47 : i32
      %add3A_49 = arith.constant 1 : i32
      %add3A_50 = arith.addi %mul3A_48, %add3A_49 : i32
      %mul3A_51 = arith.constant 1600 : i32
      %mul3A_52 = arith.muli %add3A_50, %mul3A_51 : i32
      %add3A_53 = arith.addi %mul3A_2, %mul3A_52 : i32
      %dma_wait3A_54 = arith.constant 0 : i32
      %dma_wait3A_55 = arith.constant 0 : i32
      %dma_wait3A_56 = tpu.memref_slice %arg3[%dma_wait3A_54, %dma_wait3A_55] : memref<1000000x32xf32, #tpu.memory_space<hbm>> -> memref<1000000x32xf32, #tpu.memory_space<hbm>>
      tpu.wait_indirect_dma semaphore(%arg10 : memref<!tpu.dma_semaphore, #tpu.memory_space<semaphore_mem>>) src(%dma_wait3A_56 : memref<1000000x32xf32, #tpu.memory_space<hbm>>) dst(%arg8 : memref<1600x32xf32, #tpu.memory_space<vmem>>)
      %dma_start3A_57 = arith.constant 0 : i32
      %dma_start3A_58 = tpu.memref_slice %arg4[%add3A_53, %dma_start3A_57] : memref<819200x32xf32, #tpu.memory_space<hbm>> -> memref<1600x32xf32, #tpu.memory_space<hbm>>
      %dma_start3A_59 = arith.constant 0 : i32
      %dma_start3A_60 = tpu.memref_slice %arg4[%add3A_53, %dma_start3A_59] : memref<819200x32xf32, #tpu.memory_space<hbm>> -> memref<1600x32xf32, #tpu.memory_space<hbm>>
      tpu.enqueue_dma source(%arg8 : memref<1600x32xf32, #tpu.memory_space<vmem>>) target(%dma_start3A_60 : memref<1600x32xf32, #tpu.memory_space<hbm>>) target_semaphore(%arg12 : memref<!tpu.dma_semaphore, #tpu.memory_space<semaphore_mem>>)
      %add3A_61 = arith.constant 2 : i32
      %add3A_62 = arith.addi %add3A_50, %add3A_61 : i32
      %lt3A_63 = arith.constant 16 : i32
      %lt3A_64 = arith.cmpi slt, %add3A_62, %lt3A_63 : i32
      %convert_element_type3A_65 = arith.extui %lt3A_64 : i1 to i32
      %cond3A_66 = arith.constant 0 : i32
      %cond3A_67 = arith.cmpi ne, %convert_element_type3A_65, %cond3A_66 : i32
      scf.if %cond3A_67 {
        %add3A_68 = arith.constant 3200 : i32
        %add3A_69 = arith.addi %add3A_53, %add3A_68 : i32
        %dma_wait3A_70 = arith.constant 0 : i32
        %dma_wait3A_71 = tpu.memref_slice %arg4[%add3A_53, %dma_wait3A_70] : memref<819200x32xf32, #tpu.memory_space<hbm>> -> memref<1600x32xf32, #tpu.memory_space<hbm>>
        %dma_wait3A_72 = arith.constant 0 : i32
        %dma_wait3A_73 = tpu.memref_slice %arg4[%add3A_53, %dma_wait3A_72] : memref<819200x32xf32, #tpu.memory_space<hbm>> -> memref<1600x32xf32, #tpu.memory_space<hbm>>
        tpu.wait_dma2 semaphore(%arg12 : memref<!tpu.dma_semaphore, #tpu.memory_space<semaphore_mem>>) src(%arg8 : memref<1600x32xf32, #tpu.memory_space<vmem>>) dst(%dma_wait3A_73 : memref<1600x32xf32, #tpu.memory_space<hbm>>)
        "tpu.region"() ({
          %run_scoped3A = tpu.sem_alloc : memref<!tpu.dma_semaphore, #tpu.memory_space<semaphore_mem>>
          %dma_start3A_77 = tpu.memref_slice %arg2[%add3A_69] : memref<819200xi32, #tpu.memory_space<hbm>> -> memref<1600xi32, #tpu.memory_space<hbm>>
          %dma_start3A_78 = tpu.memref_slice %arg2[%add3A_69] : memref<819200xi32, #tpu.memory_space<hbm>> -> memref<1600xi32, #tpu.memory_space<hbm>>
          tpu.enqueue_dma source(%dma_start3A_78 : memref<1600xi32, #tpu.memory_space<hbm>>) target(%arg6 : memref<1600xi32, #tpu.memory_space<vmem>>) target_semaphore(%run_scoped3A : memref<!tpu.dma_semaphore, #tpu.memory_space<semaphore_mem>>)
          %dma_wait3A_79 = tpu.memref_slice %arg2[%add3A_69] : memref<819200xi32, #tpu.memory_space<hbm>> -> memref<1600xi32, #tpu.memory_space<hbm>>
          %dma_wait3A_80 = tpu.memref_slice %arg2[%add3A_69] : memref<819200xi32, #tpu.memory_space<hbm>> -> memref<1600xi32, #tpu.memory_space<hbm>>
          tpu.wait_dma2 semaphore(%run_scoped3A : memref<!tpu.dma_semaphore, #tpu.memory_space<semaphore_mem>>) src(%dma_wait3A_80 : memref<1600xi32, #tpu.memory_space<hbm>>) dst(%arg6 : memref<1600xi32, #tpu.memory_space<vmem>>)
          tpu.yield
        }) : () -> ()
        %dma_start3A_74 = arith.constant 0 : i32
        %dma_start3A_75 = arith.constant 0 : i32
        %dma_start3A_76 = tpu.memref_slice %arg3[%dma_start3A_74, %dma_start3A_75] : memref<1000000x32xf32, #tpu.memory_space<hbm>> -> memref<1000000x32xf32, #tpu.memory_space<hbm>>
        tpu.enqueue_indirect_dma source(%dma_start3A_76 : memref<1000000x32xf32, #tpu.memory_space<hbm>>) target(%arg8 : memref<1600x32xf32, #tpu.memory_space<vmem>>) offsets(%arg6 : memref<1600xi32, #tpu.memory_space<vmem>>) semaphore(%arg10 : memref<!tpu.dma_semaphore, #tpu.memory_space<semaphore_mem>>)
      } else {
      }
    }
    %scan3A_16 = arith.constant 8 : i32
    %add3A_17 = arith.constant 22400 : i32
    %add3A_18 = arith.addi %mul3A_2, %add3A_17 : i32
    %dma_wait3A = arith.constant 0 : i32
    %dma_wait3A_19 = tpu.memref_slice %arg4[%add3A_18, %dma_wait3A] : memref<819200x32xf32, #tpu.memory_space<hbm>> -> memref<1600x32xf32, #tpu.memory_space<hbm>>
    %dma_wait3A_20 = arith.constant 0 : i32
    %dma_wait3A_21 = tpu.memref_slice %arg4[%add3A_18, %dma_wait3A_20] : memref<819200x32xf32, #tpu.memory_space<hbm>> -> memref<1600x32xf32, #tpu.memory_space<hbm>>
    tpu.wait_dma2 semaphore(%arg11 : memref<!tpu.dma_semaphore, #tpu.memory_space<semaphore_mem>>) src(%arg7 : memref<1600x32xf32, #tpu.memory_space<vmem>>) dst(%dma_wait3A_21 : memref<1600x32xf32, #tpu.memory_space<hbm>>)
    %add3A_22 = arith.constant 24000 : i32
    %add3A_23 = arith.addi %mul3A_2, %add3A_22 : i32
    %dma_wait3A_24 = arith.constant 0 : i32
    %dma_wait3A_25 = tpu.memref_slice %arg4[%add3A_23, %dma_wait3A_24] : memref<819200x32xf32, #tpu.memory_space<hbm>> -> memref<1600x32xf32, #tpu.memory_space<hbm>>
    %dma_wait3A_26 = arith.constant 0 : i32
    %dma_wait3A_27 = tpu.memref_slice %arg4[%add3A_23, %dma_wait3A_26] : memref<819200x32xf32, #tpu.memory_space<hbm>> -> memref<1600x32xf32, #tpu.memory_space<hbm>>
    tpu.wait_dma2 semaphore(%arg12 : memref<!tpu.dma_semaphore, #tpu.memory_space<semaphore_mem>>) src(%arg8 : memref<1600x32xf32, #tpu.memory_space<vmem>>) dst(%dma_wait3A_27 : memref<1600x32xf32, #tpu.memory_space<hbm>>)
    return
  }
}

</mosaic_0001>

<sc_bundles>
// kernel: kernel.3.cloned.1.call-start
scs
__scs_entry_jumppad:
0x0: {  	(pc) =	sbr.rel $0x88, $3  }
0x1: {  	(tag) =	ssettag $0x0;
	lr =	simm.s32 $0x1  }
0x2: {  	[smem:$0x3F9F] =	sst lr;
	_ =	strace $0xD0000000  }
0x3: {  	_ = 	snop  }
0x4: {  	_ = 	snop  }
0x5: {  	_ = 	snop  }
0x6: {  	_ = 	snop  }
0x7: {  	_ = 	snop  }
__scs_overlays_trampoline_lowered:
0x8: {  	[smem:$0x3FAE] =	sst s0  }
0x9: {  	[smem:$0x3FAF] =	sst s1  }
0xa: {  	[smem:$0x3FB0] =	sst s2  }
0xb: {  	[smem:$0x3FB1] =	sst s3  }
0xc: {  	[smem:$0x3FB2] =	sst s4  }
0xd: {  	[smem:$0x3FB3] =	sst s5  }
0xe: {  	[smem:$0x3FB4] =	sst s6  }
0xf: {  	[smem:$0x3FB5] =	sst s7  }
0x10: {  	[smem:$0x3FB6] =	sst s8  }
0x11: {  	[smem:$0x3FB7] =	sst s9;
	s0 =	simm.s32 @!p0 $0x0  }
0x12: {  	s1 =	sld [smem:$0x3F9D];
	s0 =	simm.s32 @p0 $0x1  }
0x13: {  	[smem:$0x3FB8] =	sst s0;
	s0 =	simm.s32 @!p1 $0x0  }
0x14: {  	s2 =	sld [smem:$0x3F9C];
	s0 =	simm.s32 @p1 $0x1  }
0x15: {  	[smem:$0x3FB9] =	sst s0;
	s0 =	simm.s32 @!p2 $0x0  }
0x16: {  	s3 =	sld [smem:$0x3FDB];
	s0 =	simm.s32 @p2 $0x1  }
0x17: {  	s4 =	simm.s32 $0x1BF5;
	[smem:$0x3FBB] =	sst s0  }
0x18: {  	s0 =	sld [smem:$0x3F9E];
	_ =	swait.ge [sflag:s4], $0x0  }
0x19: {  	s7 =	sld [smem:$0x3F9F]  }
0x1a: {  	s8 =	sadd.s32 $0xFFFFE003, lr  }
0x1b: {  	s9 =	sadd.s32 $0xFFFFFEF7, lr;
	s5 =	simm.s32 $0xFFFFFFFF;
	p2 =	slt.u32 s8, $0xFFFFF086  }
0x1c: {  	p1 =	slt.u32 s9, $0xF7A;
	s5 =	simm.s32 @!p2 $0x0  }
0x1d: {  	s5 =	simm.s32 @p1 $0x1;
	p0 =	seq.s32 s7, s2  }
0x1e: {  	s7 =	smul.u32 @!p0 $0xF7A, s2;
	p2 =	seq.s32 @!p0 s5, $0x0  }
0x1f: {  	s9 =	smul.u32 $0xF7A, s1;
	s8 =	simm.s32 @!p0 $0x1BF5;
	p2 =	por !p2, p0  }
0x20: {  	[sflag:s8] =	ssyncset.s32 @!p0 $0xFFFFF086;
	s6 =	sadd.s32 @!p0 s3, s7;
	s7 =	simm.s32 @!p0 $0x108  }
0x21: {  	s3 =	sadd.s32 s3, s9;
	s6 =	sadd.s32 @!p0 $0x88, s6;
	s7 =	simm.s32 @p2 $0x1082  }
0x22: {  	[simem:s7], [sflag:s8] =	dma.local @!p0 [hbm:s6], $0xF7A  }
0x23: {  	s9 =	sor.u32 $0xD0000000, s2;
	s6 =	simm.s32 $0x108;
	_ =	swait.ge @!p0 [sflag:s8], $0x0  }
0x24: {  	s3 =	sadd.s32 $0x88, s3;
	s6 =	simm.s32 @!p1 $0x1082;
	[sflag:s4] =	ssyncset.s32 $0xFFFFF086  }
0x25: {  	[simem:s6], [sflag:s4] =	dma.local [hbm:s3], $0xF7A  }
0x26: {  	[smem:$0x3F9F] =	sst s1;
	(tag) =	ssettag s2;
	_ =	strace s9  }
0x27: {  	s1 =	sld [smem:$0x3FAF]  }
0x28: {  	s2 =	sld [smem:$0x3FB0]  }
0x29: {  	s4 =	sld [smem:$0x3FB2]  }
0x2a: {  	p0 =	seq.s32 s5, $0x0;
	s5 =	sld [smem:$0x3FB3]  }
0x2b: {  	s6 =	sld [smem:$0x3FB4]  }
0x2c: {  	s7 =	sld [smem:$0x3FB5]  }
0x2d: {  	s3 =	simm.s32 $0x108;
	s8 =	sld [smem:$0x3FB6]  }
0x2e: {  	s3 =	simm.s32 @!p0 $0x1082;
	s9 =	sld [smem:$0x3FB7]  }
0x2f: {  	lr =	sadd.s32 s0, s3;
	s0 =	sld [smem:$0x3FAE]  }
0x30: {  	s3 =	sld [smem:$0x3FB1]  }
0x31: {  	[smem:$0x3FBA] =	sst s10  }
0x32: {  	s10 =	sld [smem:$0x3FB8];
	_ =	sdelay $0x3  }
0x33: {  	p0 =	seq.s32 s10, $0x1;
	s10 =	sld [smem:$0x3FBA];
	_ =	sdelay $0x3  }
0x34: {  	[smem:$0x3FBA] =	sst s10  }
0x35: {  	s10 =	sld [smem:$0x3FB9];
	_ =	sdelay $0x3  }
0x36: {  	p1 =	seq.s32 s10, $0x1;
	s10 =	sld [smem:$0x3FBA];
	_ =	sdelay $0x3  }
0x37: {  	[smem:$0x3FBA] =	sst s10  }
0x38: {  	s10 =	sld [smem:$0x3FBB]  }
0x39: {  	_ = 	snop;
	(pc) =	sbr.ind lr, $3  }
0x3a: {  	_ = 	snop  }
0x3b: {  	_ = 	snop  }
0x3c: {  	p2 =	seq.s32 s10, $0x1;
	s10 =	sld [smem:$0x3FBA]  }
0x3d: {  	_ =	shalt  }
0x3e: {  	_ =	shalt  }
0x3f: {  	_ =	shalt  }
0x40: {  	_ =	shalt  }
0x41: {  	_ =	shalt  }
0x42: {  	_ =	shalt  }
0x43: {  	_ =	shalt  }
0x44: {  	_ =	shalt  }
0x45: {  	_ =	shalt  }
0x46: {  	_ =	shalt  }
0x47: {  	_ =	shalt  }
0x48: {  	_ =	shalt  }
0x49: {  	_ =	shalt  }
0x4a: {  	_ =	shalt  }
0x4b: {  	_ =	shalt  }
0x4c: {  	_ =	shalt  }
0x4d: {  	_ =	shalt  }
0x4e: {  	_ =	shalt  }
0x4f: {  	_ =	shalt  }
0x50: {  	_ =	shalt  }
0x51: {  	_ =	shalt  }
0x52: {  	_ =	shalt  }
0x53: {  	_ =	shalt  }
0x54: {  	_ =	shalt  }
0x55: {  	_ =	shalt  }
0x56: {  	_ =	shalt  }
0x57: {  	_ =	shalt  }
0x58: {  	_ =	shalt  }
0x59: {  	_ =	shalt  }
0x5a: {  	_ =	shalt  }
0x5b: {  	_ =	shalt  }
0x5c: {  	_ =	shalt  }
0x5d: {  	_ =	shalt  }
0x5e: {  	_ =	shalt  }
0x5f: {  	_ =	shalt  }
0x60: {  	_ =	shalt  }
0x61: {  	_ =	shalt  }
0x62: {  	_ =	shalt  }
0x63: {  	_ =	shalt  }
0x64: {  	_ =	shalt  }
0x65: {  	_ =	shalt  }
0x66: {  	_ =	shalt  }
0x67: {  	_ =	shalt  }
0x68: {  	_ =	shalt  }
0x69: {  	_ =	shalt  }
0x6a: {  	_ =	shalt  }
0x6b: {  	_ =	shalt  }
0x6c: {  	_ =	shalt  }
0x6d: {  	_ =	shalt  }
0x6e: {  	_ =	shalt  }
0x6f: {  	_ =	shalt  }
0x70: {  	_ =	shalt  }
0x71: {  	_ =	shalt  }
0x72: {  	_ =	shalt  }
0x73: {  	_ =	shalt  }
0x74: {  	_ =	shalt  }
0x75: {  	_ =	shalt  }
0x76: {  	_ =	shalt  }
0x77: {  	_ =	shalt  }
0x78: {  	_ =	shalt  }
0x79: {  	_ =	shalt  }
0x7a: {  	_ =	shalt  }
0x7b: {  	_ =	shalt  }
0x7c: {  	_ =	shalt  }
0x7d: {  	_ =	shalt  }
0x7e: {  	_ =	shalt  }
0x7f: {  	_ =	shalt  }
0x80: {  	_ =	shalt  }
0x81: {  	_ =	shalt  }
0x82: {  	_ =	shalt  }
0x83: {  	_ =	shalt  }
0x84: {  	_ =	shalt  }
0x85: {  	_ =	shalt  }
0x86: {  	_ =	shalt  }
0x87: {  	_ =	shalt  }
.Lfunc_end0:
.L_simem_size_0:
called_computation.1_lowered:
.L_overlay_start_0:
0x88: {  	s2 =	sld [smem:$0x3FD9]  }
0x89: {  	s3 =	sld [smem:$0x3FFE];
	_ =	sdelay $0x1  }
0x8a: {  	s1 =	srdreg.scid  }
0x8b: {  	s0 =	sand.u32 $0x1, s1  }
0x8c: {  	s17 =	sshll.u32 s0, $0xA;
	s2 =	sadd.s32 s3, s2  }
0x8d: {  	s2 =	sadd.s32 s2, s17  }
0x8e: {  	[smem:$0x3FC6] =	sst s2  }
0x8f: {  	_ = 	snop  }
0x90: {  	s2 =	sld [smem:$0x3FD0];
	(tm) =	ssettm $0x1  }
0x91: {  	s18 =	sld [smem:$0x3FFB];
	_ =	sdelay $0x3  }
0x92: {  	_ =	strace s18  }
0x93: {  	s3 =	sld [smem:$0x3FFC];
	_ =	sdelay $0x3  }
0x94: {  	_ =	strace s3  }
0x95: {  	s3 =	sld [smem:$0x3FFD];
	_ =	sdelay $0x3  }
0x96: {  	_ =	strace s3  }
0x97: {  	_ =	strace $0x8FFFFFFF  }
0x98: {  	s19 =	sld [smem:$0x3FDB];
	_ =	sdelay $0x1  }
0x99: {  	s4 =	simm.s32 $_scs_section_size  }
0x9a: {  	s5 =	simm.s32 $_size__tile_overlayer_lowered;
	s6 =	simm.s32 $_tile_overlayer_lowered  }
0x9b: {  	s22 =	simm.s32 $0x1BFF;
	s21 =	sshll.u32 s6, $0x1;
	s3 =	sadd.s32 s4, s19  }
0x9c: {  	s7 =	simm.s32 $0x0;
	s20 =	sshll.u32 s5, $0x1;
	s5 =	sadd.s32 s21, s3  }
0x9d: {  	[timem:s7], [sflag:s22] =	dma.local [hbm:s5], s20  }
0x9e: {  	_ =	swait.ge [sflag:s22], s20  }
0x9f: {  	s4 =	ssub.s32 $0x0, s20;
	[sflag:s22] =	ssyncset.done $0x0  }
0xa0: {  	[sflag:s22] =	ssyncadd.s32 s4;
	_ =	sdelay $0x1  }
0xa1: {  	s23 =	simm.s32 $0x1B8B  }
0xa2: {  	_ =	swait.ge [sflag:s23], $0x1  }
0xa3: {  	[sflag:s23] =	ssyncset.done $0x0  }
0xa4: {  	s25 =	simm.s32 $0x1B8E;
	s24 =	sld [smem:$0x3FFE];
	[sflag:s23] =	ssyncadd.s32 $0xFFFFFFFF  }
0xa5: {  	s26 =	simm.s32 $execute0_lowered;
	[smem:$0x3FD2] =	sst s25  }
0xa6: {  	s5 =	sshll.u32 s26, $0x1;
	_ =	strace $0x80000046;
	[dreg:$0x1] =	wrdreg $0xFFFFFFFF  }
0xa7: {  	s28 =	simm.s32 $_size_execute0_lowered;
	s3 =	sadd.s32 s3, s5;
	[dreg:$0x0] =	wrdreg $0x0  }
0xa8: {  	s5 =	sshll.u32 s28, $0x1;
	[dreg:$0x2] =	wrdreg s3  }
0xa9: {  	[dreg:$0x3] =	wrdreg s5  }
0xaa: {  	[dreg:$0x4] =	wrdreg $0xC0  }
0xab: {  	_ =	task [dreg:s7], $0x5FFFF  }
0xac: {  	[dreg:$0x1] =	wrdreg $0xFFFFFFFF  }
0xad: {  	[dreg:$0x0] =	wrdreg $0x60  }
0xae: {  	[dreg:$0x2] =	wrdreg s24  }
0xaf: {  	[dreg:$0x3] =	wrdreg s2  }
0xb0: {  	[dreg:$0x4] =	wrdreg $0x9  }
0xb1: {  	_ =	task.clear_ibuf [dreg:s7], $0x5FFFF;
	_ =	strace $0x90000046  }
0xb2: {  	s29 =	simm.s32 $0x9;
	_ =	strace $0x80000048  }
0xb3: {  	_ =	swait.ge [sflag:s29], $0x1  }
0xb4: {  	[sflag:s29] =	ssyncadd.s32 $0xFFFFFFFF  }
0xb5: {  	_ =	strace $0x90000048  }
0xb6: {  	_ =	sfence  }
0xb7: {  	s30 =	sld [smem:$0x0];
	_ =	sdelay $0x2  }
0xb8: {  	s31 =	sshll.u32 s1, $0xD;
	s1 =	sshrl.u32 s1, $0x2  }
0xb9: {  	s3 =	sand.u32 $0x4000, s31;
	s1 =	sadd.s32 s1, s30  }
0xba: {  	s0 =	sor.u32 s3, s0;
	s1 =	sshll.u32 s1, $0x11  }
0xbb: {  	s0 =	sor.u32 s1, s0  }
0xbc: {  	s0 =	sadd.s32 $0x8F2B, s0  }
0xbd: {  	[sflag:s0] =	ssyncadd.remote.s32 $0x1  }
0xbe: {  	_ =	sfence.sel $0xFFFF  }
0xbf: {  	[dreg:$0x0] =	wrdreg $0xFFFFFFFF;
	(pc) =	sbr.abs _section_cstart, $3  }
0xc0: {  	[dreg:$0x1] =	wrdreg $0xFFFFFFFF  }
0xc1: {  	_ =	task.clear_ibuf [dreg:s7], $0x2FFFF;
	_ =	strace $0x9FFFFFFF  }
0xc2: {  	(tm) =	ssettm $0x7FFFFFFF  }
0xc3: {  	_ =	shalt  }
tec
execute0_lowered:
.L_overlay_start_1:
0x0: {  	(tag) =	ssettag $0x1  }
0x1: {  	s4 =	rddreg [dreg:$0x0]  }
0x2: {  	s11 =	rddreg [dreg:$0x1]  }
0x3: {  	s0 =	rddreg [dreg:$0x2]  }
0x4: {  	s3 =	srdreg.scid;
	s1 =	stileid.u32;
	s2 =	simm.s32 $0x0  }
0x5: {  	s17 =	simm.s32 $0xD480;
	s18 =	simm.s32 $0x1;
	s19 =	simm.s32 $0x3  }
0x6: {  	s20 =	simm.s32 $0x2;
	s21 =	simm.s32 $0x4;
	s9 =	smul.u32 $0xC800, s1  }
0x7: {  	s22 =	simm.s32 $0x0;
	s10 =	sand.u32 $0x1, s3;
	s30 =	smul.u32 $0x32000, s1  }
0x8: {  	s26 =	sshll.u32 s1, $0x1;
	[smem:$0x7FF] =	sst s2;
	s12 =	smul.u32 $0x6400, s10  }
0x9: {  	s3 =	sadd.s32 $0xA00, s4;
	s5 =	sor.u32 s10, s26;
	s16 =	smul.u32 $0x19000, s10  }
0xa: {  	s4 =	sadd.s32 $0xF42E00, s4;
	s8 =	ssub.s32 $0x2, s10;
	s6 =	smul.u32 $0x6400, s5  }
0xb: {  	_ =	strace $0x80000047;
	s7 =	smul.u32 $0x19000, s5;
	s29 =	sshrl.u32 s8, $0x1  }
0xc: {  	s8 =	ssub.s32 s8, s29;
	s14 =	sadd.s32 s12, s9;
	s28 =	sshrl.u32 s6, $0x3  }
0xd: {  	s13 =	sadd.s32 s11, s7;
	s7 =	smax.u32 s8, $0x1;
	s12 =	sshll.u32 s14, $0x2  }
0xe: {  	s15 =	sadd.s32 $0x12C0, s14;
	s5 =	sadd.s32 s3, s28;
	s8 =	sadd.s32 $0x15E00, s13  }
0xf: {  	s9 =	sadd.s32 $0x17700, s13;
	s12 =	sadd.s32 s11, s12;
	s31 =	sshrl.u32 s15, $0x3  }
0x10: {  	s13 =	sadd.s32 s30, s11;
	s15 =	simm.s32 $0x640;
	s6 =	sadd.s32 $0xC8, s5  }
0x11: {  	s10 =	sadd.s32 $0x1900, s12;
	s11 =	sadd.s32 s31, s3;
	s12 =	sadd.s32 s16, s13  }
0x12: {  	s13 =	sadd.s32 $0xC80, s14;
	s14 =	simm.s32 $0x5;
	s16 =	simm.s32 $0xC80  }
.LBB2_1:
0x13: {  	[tilespmem:s2], [sflag:$0x5] =	stream.linear.gather [hbm4b:s5+s2], $0x640, $0x38;
	[tilespmem:$0x19C80] =	vst v63  }
0x14: {  	_ =	swait.ge [sflag:s14], $0x640  }
0x15: {  	[sflag:s14] =	ssyncset.done $0x0  }
0x16: {  	[sflag:s14] =	ssyncadd.s32 $0xFFFFF9C0  }
0x17: {  	[tilespmem:s16], [sflag:$0x1] =	stream.indirect.gather [hbm4b:s4+s15], $0x20, s2, s15, $0xb8;
	[tilespmem:$0x19C80] =	vst v63  }
0x18: {  	_ = 	snop  }
0x19: {  	[tilespmem:s15], [sflag:$0x5] =	stream.linear.gather [hbm4b:s6+s2], $0x640, $0x38;
	[tilespmem:$0x19C80] =	vst v63  }
0x1a: {  	_ =	swait.ge [sflag:s14], $0x640  }
0x1b: {  	[sflag:s14] =	ssyncset.done $0x0  }
0x1c: {  	[sflag:s14] =	ssyncadd.s32 $0xFFFFF9C0  }
0x1d: {  	[tilespmem:s17], [sflag:$0x2] =	stream.indirect.gather [hbm4b:s4+s15], $0x20, s15, s15, $0xb8;
	[tilespmem:$0x19C80] =	vst v63  }
0x1e: {  	_ =	swait.ge [sflag:s18], $0xC800  }
0x1f: {  	[sflag:s18] =	ssyncset.done $0x0  }
0x20: {  	s23 =	sadd.s32 $0x0, s12;
	[sflag:s18] =	ssyncadd.s32 $0xFFFF3800  }
0x21: {  	[hbm4b:s23+s2] =	stream.linear.scatter [tilespmem:s16], [sflag:$0x3], $0xC800, $0x38;
	[tilespmem:$0x19C80] =	vst v63  }
0x22: {  	_ =	swait.ge [sflag:s19], $0xC800  }
0x23: {  	s30 =	sshrl.u32 s13, $0x3;
	[sflag:s19] =	ssyncset.done $0x0  }
0x24: {  	s23 =	sadd.s32 s3, s30;
	[sflag:s19] =	ssyncadd.s32 $0xFFFF3800  }
0x25: {  	[tilespmem:s2], [sflag:$0x5] =	stream.linear.gather [hbm4b:s23+s2], $0x640, $0x38;
	[tilespmem:$0x19C80] =	vst v63  }
0x26: {  	_ =	swait.ge [sflag:s14], $0x640  }
0x27: {  	[sflag:s14] =	ssyncset.done $0x0  }
0x28: {  	[sflag:s14] =	ssyncadd.s32 $0xFFFFF9C0  }
0x29: {  	[tilespmem:s16], [sflag:$0x1] =	stream.indirect.gather [hbm4b:s4+s15], $0x20, s2, s15, $0xb8;
	[tilespmem:$0x19C80] =	vst v63  }
0x2a: {  	_ =	swait.ge [sflag:s20], $0xC800  }
0x2b: {  	[sflag:s20] =	ssyncset.done $0x0  }
0x2c: {  	s31 =	sadd.s32 $0x0, s10;
	[sflag:s20] =	ssyncadd.s32 $0xFFFF3800  }
0x2d: {  	[hbm4b:s31+s2] =	stream.linear.scatter [tilespmem:s17], [sflag:$0x4], $0xC800, $0x38;
	[tilespmem:$0x19C80] =	vst v63  }
0x2e: {  	_ =	swait.ge [sflag:s21], $0xC800  }
0x2f: {  	[sflag:s21] =	ssyncset.done $0x0  }
0x30: {  	[sflag:s21] =	ssyncadd.s32 $0xFFFF3800  }
0x31: {  	[tilespmem:s15], [sflag:$0x5] =	stream.linear.gather [hbm4b:s11+s2], $0x640, $0x38;
	[tilespmem:$0x19C80] =	vst v63  }
0x32: {  	_ =	swait.ge [sflag:s14], $0x640  }
0x33: {  	s24 =	sadd.s32 $0x190, s11;
	[sflag:s14] =	ssyncset.done $0x0  }
0x34: {  	s25 =	sadd.s32 $0xC80, s13;
	s23 =	simm.s32 $0x3200;
	[sflag:s14] =	ssyncadd.s32 $0xFFFFF9C0  }
.LBB2_2:
0x35: {  	[tilespmem:s17], [sflag:$0x2] =	stream.indirect.gather [hbm4b:s4+s15], $0x20, s15, s15, $0xb8;
	[tilespmem:$0x19C80] =	vst v63  }
0x36: {  	s26 =	smov.u32 s23  }
0x37: {  	p0 =	sne.s32 s23, $0x12C00;
	s23 =	sadd.s32 $0x3200, s23;
	_ =	swait.ge [sflag:s18], $0xC800  }
0x38: {  	[sflag:s18] =	ssyncset.done $0x0  }
0x39: {  	s28 =	sadd.s32 s26, s12;
	[sflag:s18] =	ssyncadd.s32 $0xFFFF3800  }
0x3a: {  	[hbm4b:s28+s2] =	stream.linear.scatter [tilespmem:s16], [sflag:$0x3], $0xC800, $0x38;
	[tilespmem:$0x19C80] =	vst v63  }
0x3b: {  	_ =	swait.ge [sflag:s19], $0xC800  }
0x3c: {  	s28 =	sshrl.u32 s25, $0x3;
	[sflag:s19] =	ssyncset.done $0x0  }
0x3d: {  	s28 =	sadd.s32 s3, s28;
	[sflag:s19] =	ssyncadd.s32 $0xFFFF3800  }
0x3e: {  	[tilespmem:s2], [sflag:$0x5] =	stream.linear.gather [hbm4b:s28+s2], $0x640, $0x38;
	[tilespmem:$0x19C80] =	vst v63  }
0x3f: {  	_ =	swait.ge [sflag:s14], $0x640  }
0x40: {  	[sflag:s14] =	ssyncset.done $0x0  }
0x41: {  	[sflag:s14] =	ssyncadd.s32 $0xFFFFF9C0  }
0x42: {  	[tilespmem:s16], [sflag:$0x1] =	stream.indirect.gather [hbm4b:s4+s15], $0x20, s2, s15, $0xb8;
	[tilespmem:$0x19C80] =	vst v63  }
0x43: {  	_ =	swait.ge [sflag:s20], $0xC800  }
0x44: {  	[sflag:s20] =	ssyncset.done $0x0  }
0x45: {  	s26 =	sadd.s32 s26, s10;
	[sflag:s20] =	ssyncadd.s32 $0xFFFF3800  }
0x46: {  	[hbm4b:s26+s2] =	stream.linear.scatter [tilespmem:s17], [sflag:$0x4], $0xC800, $0x38;
	[tilespmem:$0x19C80] =	vst v63  }
0x47: {  	_ =	swait.ge [sflag:s21], $0xC800  }
0x48: {  	[sflag:s21] =	ssyncset.done $0x0  }
.Ltmp0:
0x49: {  	[sflag:s21] =	ssyncadd.s32 $0xFFFF3800;
	(pc) =	sbr.rel @p0 .LBB2_2-.Ltmp0, $4  }
0x4a: {  	[tilespmem:s15], [sflag:$0x5] =	stream.linear.gather [hbm4b:s24+s2], $0x640, $0x38;
	[tilespmem:$0x19C80] =	vst v63  }
0x4b: {  	_ =	swait.ge [sflag:s14], $0x640  }
0x4c: {  	[sflag:s14] =	ssyncset.done $0x0  }
0x4d: {  	s25 =	sadd.s32 $0xC80, s25;
	s24 =	sadd.s32 $0x190, s24;
	[sflag:s14] =	ssyncadd.s32 $0xFFFFF9C0  }
0x4e: {  	[tilespmem:s17], [sflag:$0x2] =	stream.indirect.gather [hbm4b:s4+s15], $0x20, s15, s15, $0xb8;
	[tilespmem:$0x19C80] =	vst v63  }
0x4f: {  	_ =	swait.ge [sflag:s18], $0xC800  }
0x50: {  	[sflag:s18] =	ssyncset.done $0x0  }
0x51: {  	[sflag:s18] =	ssyncadd.s32 $0xFFFF3800  }
0x52: {  	[hbm4b:s8+s2] =	stream.linear.scatter [tilespmem:s16], [sflag:$0x3], $0xC800, $0x38;
	[tilespmem:$0x19C80] =	vst v63  }
0x53: {  	_ =	swait.ge [sflag:s20], $0xC800  }
0x54: {  	[sflag:s20] =	ssyncset.done $0x0  }
0x55: {  	s22 =	sadd.s32 $0x1, s22;
	[sflag:s20] =	ssyncadd.s32 $0xFFFF3800  }
0x56: {  	[hbm4b:s9+s2] =	stream.linear.scatter [tilespmem:s17], [sflag:$0x4], $0xC800, $0x38;
	[tilespmem:$0x19C80] =	vst v63  }
0x57: {  	p0 =	sne.s32 s22, s7;
	_ =	swait.ge [sflag:s19], $0xC800  }
.Ltmp1:
0x58: {  	[sflag:s19] =	ssyncset.done $0x0;
	(pc) =	sbr.rel @p0 .LBB2_1-.Ltmp1, $4  }
0x59: {  	[sflag:s19] =	ssyncadd.s32 $0xFFFF3800  }
0x5a: {  	_ =	swait.ge [sflag:s21], $0xC800  }
0x5b: {  	[sflag:s21] =	ssyncset.done $0x0  }
0x5c: {  	[sflag:s21] =	ssyncadd.s32 $0xFFFF3800  }
0x5d: {  	_ =	sfence.sel $0x180000  }
0x5e: {  	[bflag:$0x0] =	sbarrier.arrive $0xFFFF  }
0x5f: {  	p0 =	sne.s32 s1, $0x0;
	_ =	strace $0x90000047  }
0x60: {  	s0 =	sadd.s32 @!p0 $0x100000, s0;
	[bflag:$0x2] =	sbarrier.arrive $0xFFFF  }
0x61: {  	[sflag:s0] =	ssyncadd.tile.s32 @!p0 $0x1;
	_ =	shalt  }
.Lfunc_end2:
_tile_overlayer_lowered:
.L_overlay_start_2:
0x62: {  	(tag) =	ssettag $0x2  }
0x63: {  	s0 =	rddreg [dreg:$0x0];
	s2 =	stileid.u32  }
0x64: {  	s1 =	rddreg [dreg:$0x1];
	p0 =	sne.s32 s2, $0x0  }
0x65: {  	s3 =	rddreg [dreg:$0x2];
	[bflag:$0x3] =	sbarrier.arrive $0xFFFF;
	s2 =	simm.s32 @!p0 $0x1C05  }
0x66: {  	[timem:s3], [sflag:s2] =	dma.local @!p0 [hbm:s0], s1  }
0x67: {  	s0 =	simm.s32 @!p0 $0x5  }
0x68: {  	_ =	swait.ge @!p0 [sflag:s0], s1  }
0x69: {  	s1 =	ssub.s32 @!p0 $0x0, s1;
	[sflag:s0] =	ssyncset.done @!p0 $0x0  }
0x6a: {  	[sflag:s0] =	ssyncadd.s32 @!p0 s1  }
0x6b: {  	[bflag:$0x3] =	sbarrier.arrive $0xFFFF  }
0x6c: {  	_ =	shalt  }

// kernel: sparse-core-data-format-call.cloned.1.call-start
scs
called_computation_lowered:
.L_overlay_start_0:
0x0: {  	s2 =	sld [smem:$0x3FD9]  }
0x1: {  	s3 =	sld [smem:$0x3FFE];
	_ =	sdelay $0x1  }
0x2: {  	s1 =	srdreg.scid  }
0x3: {  	s0 =	sand.u32 $0x1, s1  }
0x4: {  	s18 =	sshll.u32 s0, $0xA;
	s2 =	sadd.s32 s3, s2  }
0x5: {  	s2 =	sadd.s32 s2, s18  }
0x6: {  	[smem:$0x3FC6] =	sst s2  }
0x7: {  	_ = 	snop  }
0x8: {  	s2 =	sld [smem:$0x3FD0];
	(tm) =	ssettm $0x1  }
0x9: {  	s19 =	sld [smem:$0x3FFB];
	_ =	sdelay $0x3  }
0xa: {  	_ =	strace s19  }
0xb: {  	s3 =	sld [smem:$0x3FFC];
	_ =	sdelay $0x3  }
0xc: {  	_ =	strace s3  }
0xd: {  	s3 =	sld [smem:$0x3FFD];
	_ =	sdelay $0x3  }
0xe: {  	_ =	strace s3  }
0xf: {  	_ =	strace $0x8FFFFFFF  }
0x10: {  	s20 =	sld [smem:$0x3FDB];
	_ =	sdelay $0x1  }
0x11: {  	s4 =	simm.s32 $_scs_section_size  }
0x12: {  	s5 =	simm.s32 $_size__tile_overlayer_lowered;
	s6 =	simm.s32 $_tile_overlayer_lowered  }
0x13: {  	s23 =	simm.s32 $0x1BFF;
	s22 =	sshll.u32 s6, $0x1;
	s3 =	sadd.s32 s4, s20  }
0x14: {  	s7 =	simm.s32 $0x0;
	s21 =	sshll.u32 s5, $0x1;
	s5 =	sadd.s32 s22, s3  }
0x15: {  	[timem:s7], [sflag:s23] =	dma.local [hbm:s5], s21  }
0x16: {  	_ =	swait.ge [sflag:s23], s21  }
0x17: {  	s4 =	ssub.s32 $0x0, s21;
	[sflag:s23] =	ssyncset.done $0x0  }
0x18: {  	[sflag:s23] =	ssyncadd.s32 s4;
	_ =	sdelay $0x1  }
0x19: {  	s24 =	simm.s32 $0x1B8B  }
0x1a: {  	_ =	swait.ge [sflag:s24], $0x1  }
0x1b: {  	[sflag:s24] =	ssyncset.done $0x0  }
0x1c: {  	s26 =	simm.s32 $0x1B8E;
	s25 =	sld [smem:$0x3FFE];
	[sflag:s24] =	ssyncadd.s32 $0xFFFFFFFF  }
0x1d: {  	s27 =	simm.s32 $execute0_lowered;
	[smem:$0x3FD2] =	sst s26  }
0x1e: {  	s5 =	sshll.u32 s27, $0x1;
	_ =	strace $0x80000049;
	[dreg:$0x1] =	wrdreg $0xFFFFFFFF  }
0x1f: {  	s28 =	simm.s32 $_size_execute0_lowered;
	s3 =	sadd.s32 s3, s5;
	[dreg:$0x0] =	wrdreg $0x0  }
0x20: {  	s5 =	sshll.u32 s28, $0x1;
	[dreg:$0x2] =	wrdreg s3  }
0x21: {  	[dreg:$0x3] =	wrdreg s5  }
0x22: {  	[dreg:$0x4] =	wrdreg $0xC0  }
0x23: {  	_ =	task [dreg:s7], $0x5FFFF  }
0x24: {  	[dreg:$0x1] =	wrdreg $0xFFFFFFFF  }
0x25: {  	[dreg:$0x0] =	wrdreg $0x60  }
0x26: {  	[dreg:$0x2] =	wrdreg s25  }
0x27: {  	[dreg:$0x3] =	wrdreg s2  }
0x28: {  	[dreg:$0x4] =	wrdreg $0x9  }
0x29: {  	_ =	task.clear_ibuf [dreg:s7], $0x5FFFF;
	_ =	strace $0x90000049  }
0x2a: {  	s29 =	simm.s32 $0x9;
	_ =	strace $0x8000004B  }
0x2b: {  	_ =	swait.ge [sflag:s29], $0x1  }
0x2c: {  	[sflag:s29] =	ssyncadd.s32 $0xFFFFFFFF  }
0x2d: {  	_ =	strace $0x9000004B  }
0x2e: {  	_ =	sfence  }
0x2f: {  	s30 =	sld [smem:$0x0];
	_ =	sdelay $0x2  }
0x30: {  	s31 =	sshll.u32 s1, $0xD;
	s1 =	sshrl.u32 s1, $0x2  }
0x31: {  	s3 =	sand.u32 $0x4000, s31;
	s1 =	sadd.s32 s1, s30  }
0x32: {  	s0 =	sor.u32 s3, s0;
	s1 =	sshll.u32 s1, $0x11  }
0x33: {  	s0 =	sor.u32 s1, s0  }
0x34: {  	s0 =	sadd.s32 $0x8F2B, s0  }
0x35: {  	[sflag:s0] =	ssyncadd.remote.s32 $0x1  }
0x36: {  	_ =	sfence.sel $0xFFFF  }
0x37: {  	[dreg:$0x0] =	wrdreg $0xFFFFFFFF;
	(pc) =	sbr.abs _section_cstart, $3  }
0x38: {  	[dreg:$0x1] =	wrdreg $0xFFFFFFFF  }
0x39: {  	_ =	task.clear_ibuf [dreg:s7], $0x2FFFF;
	_ =	strace $0x9FFFFFFF  }
0x3a: {  	(tm) =	ssettm $0x7FFFFFFF  }
0x3b: {  	_ =	shalt  }
tec
execute0_lowered:
.L_overlay_start_1:
0x0: {  	(tag) =	ssettag $0x1  }
0x1: {  	s0 =	srdreg.scid;
	s5 =	rddreg [dreg:$0x0]  }
0x2: {  	s2 =	rddreg [dreg:$0x1];
	s1 =	sshll.u32 s0, $0x4  }
0x3: {  	s9 =	simm.s32 $0x2;
	s0 =	stileid.u32;
	s1 =	sand.u32 $0x10, s1  }
0x4: {  	s15 =	simm.s32 $0x0;
	s11 =	simm.s32 $0x400;
	s4 =	sor.u32 s0, s1  }
0x5: {  	s12 =	simm.s32 $0x8000;
	s16 =	simm.s32 $0x0;
	s3 =	sshll.u32 s4, $0x7  }
0x6: {  	s13 =	simm.s32 $0x0;
	s1 =	rddreg [dreg:$0x2];
	s6 =	ssub.s32 $0x1000, s3  }
0x7: {  	_ =	strace $0x8000004A;
	s8 =	sshll.u32 s4, $0xB;
	s7 =	sand.u32 $0xF80, s6  }
0x8: {  	s4 =	simm.s32 $0x1;
	p0 =	sne.s32 s7, $0x0;
	s7 =	simm.s32 $0x1  }
.Ltmp0:
0x9: {  	s6 =	sshrl.u32 s6, $0xC;
	s7 =	simm.s32 @!p0 $0x0;
	(pc) =	sbr.rel .LBB1_1-.Ltmp0, $4  }
0xa: {  	s14 =	simm.s32 $0x0;
	[sflag:s4] =	ssyncpa.u1 $0x0;
	s6 =	sadd.s32 s7, s6  }
0xb: {  	s10 =	sadd.s32 s8, s5;
	[sflag:s9] =	ssyncpa.u1 $0x0;
	s5 =	smul.u32 $0x32, s6  }
0xc: {  	s8 =	sadd.s32 $0x20A00, s10;
	s9 =	sadd.s32 $0x30A00, s10;
	p0 =	por $0x0, $0x0  }
0xd: {  	s7 =	sadd.s32 $0x10A00, s10;
	s6 =	sadd.s32 $0xA00, s10;
	s10 =	sor.u32 $0x1, s5  }
.LBB1_7:
0xe: {  	s17 =	sadd.s32 $0x4, s13  }
0xf: {  	p2 =	sgt.s32 s17, $0xC7  }
0x10: {  	s17 =	simm.s32 @p2 $0x0;
	p2 =	sne.s32 s14, s10  }
.Ltmp1:
0x11: {  	p1 =	slt.u32 s14, $0x2;
	(pc) =	sbr.rel @!p2 .LBB1_8-.Ltmp1, $4  }
0x12: {  	s15 =	simm.s32 @!p1 $0x2  }
0x13: {  	s18 =	sadd.s32 $0x1, s14;
	s16 =	smov.u32 s13;
	_ =	swait.ge @!p1 [sflag:s15], $0x4000  }
0x14: {  	p0 =	por !p0, !p0;
	s14 =	smov.u32 s18;
	[sflag:s15] =	ssyncset.done @!p1 $0x0  }
0x15: {  	s13 =	smov.u32 s17;
	[sflag:s15] =	ssyncadd.s32 @!p1 $0xFFFFC000;
	s15 =	smov.u32 s3  }
.LBB1_1:
0x16: {  	p1 =	sge.u32 s14, s5  }
0x17: {  	s17 =	sxor.u32 @!p1 $0xFFFFFFFF, s14  }
0x18: {  	s18 =	sshll.u32 @!p1 s13, $0x10;
	s20 =	simm.s32 @!p1 $0x20;
	s17 =	sshll.u32 @!p1 s17, $0xE  }
0x19: {  	s21 =	simm.s32 @!p1 $0x80;
	s19 =	sadd.s32 @!p1 s18, s6;
	s17 =	sand.u32 @!p1 $0x4000, s17  }
0x1a: {  	[tilespmem:s17], [sflag:$0x1] =	stream.strided.gather @!p1 [hbm4b:s19+s20], $0x1000, s21, s20, $0x38;
	[tilespmem:$0x10100] =	vst v63  }
0x1b: {  	s19 =	sadd.s32 @!p1 s18, s7;
	s22 =	sor.u32 @!p1 $0x1000, s17  }
0x1c: {  	[tilespmem:s22], [sflag:$0x1] =	stream.strided.gather @!p1 [hbm4b:s19+s20], $0x1000, s21, s20, $0x38;
	[tilespmem:$0x10100] =	vst v63  }
0x1d: {  	s19 =	sadd.s32 @!p1 s18, s8;
	s22 =	sor.u32 @!p1 $0x2000, s17  }
0x1e: {  	[tilespmem:s22], [sflag:$0x1] =	stream.strided.gather @!p1 [hbm4b:s19+s20], $0x1000, s21, s20, $0x38;
	[tilespmem:$0x10100] =	vst v63  }
0x1f: {  	s31 =	sadd.s32 $0xFFFFFFFF, s14;
	s18 =	sadd.s32 @!p1 s18, s9;
	s17 =	sor.u32 @!p1 $0x3000, s17  }
0x20: {  	[tilespmem:s17], [sflag:$0x1] =	stream.strided.gather @!p1 [hbm4b:s18+s20], $0x1000, s21, s20, $0x38;
	[tilespmem:$0x10100] =	vst v63  }
0x21: {  	p1 =	sge.u32 s31, s5  }
.Ltmp2:
0x22: {  	_ = 	snop;
	(pc) =	sbr.rel @p1 .LBB1_7-.Ltmp2, $1  }
0x23: {  	_ =	sdelay $0x3  }
0x24: {  	s18 =	simm.s32 $0x1;
	s19 =	sand.u32 $0x1, s14  }
0x25: {  	_ =	swait.ge [sflag:s4], $0x4000;
	s18 =	simm.s32 @!p0 $0x0;
	s20 =	smul.u32 $0x10200, s19  }
0x26: {  	[sflag:s4] =	ssyncset.done $0x0;
	s17 =	smul.u32 $0x10200, s18  }
0x27: {  	s18 =	sshll.u32 s18, $0xE;
	[sflag:s4] =	ssyncadd.s32 $0xFFFFC000  }
0x28: {  	s19 =	sor.u32 $0x10, s18;
	s31 =	sshrl.u32 s20, $0x2;
	s17 =	sshrl.u32 s17, $0x2  }
0x29: {  	s20 =	simm.s32 $0x0;
	s18 =	sor.u32 $0x8000, s31;
	s17 =	sor.u32 $0x8000, s17  }
.LBB1_3:
0x2a: {  	v1 =	vld [tilespmem:s19+$0x0]  }
0x2b: {  	v0 =	vld [tilespmem:s19+$0xFFFFFFF0];
	_ =	sdelay $0x2  }
0x2c: {  	s23 =	sadd.s32 $0x0, s17  }
0x2d: {  	s21 =	simm.s32 $0x4;
	s22 =	sadd.s32 $0x20, s19;
	[tilespmem:s23+$0x810 ss:$0x81] =	vst.msk $0xffff, v1  }
.LBB1_4:
0x2e: {  	v1 =	vld [tilespmem:s22+$0x0];
	p1 =	sne.s32 s21, $0x1FC;
	[tilespmem:s23+$0x0 ss:$0x81] =	vst.msk $0xffff, v0;
	s23 =	smov.u32 s21;
	s21 =	sadd.s32 $0x4, s21  }
.Ltmp3:
0x2f: {  	v0 =	vld [tilespmem:s22+$0xFFFFFFF0];
	(pc) =	sbr.rel @p1 .LBB1_4-.Ltmp3, $4  }
0x30: {  	_ = 	snop  }
0x31: {  	s23 =	sshra.s32 s23, $0x2  }
0x32: {  	s23 =	sadd.s32 s23, s17  }
0x33: {  	s22 =	sadd.s32 $0x20, s22;
	[tilespmem:s23+$0x810 ss:$0x81] =	vst.msk $0xffff, v1  }
0x34: {  	s20 =	sadd.s32 $0x1, s20  }
0x35: {  	p1 =	sne.s32 s20, $0x4  }
.Ltmp4:
0x36: {  	_ = 	snop;
	(pc) =	sbr.rel @p1 .LBB1_3-.Ltmp4, $2  }
0x37: {  	_ =	sdelay $0x2  }
0x38: {  	[tilespmem:s23+$0x0 ss:$0x81] =	vst.msk $0xffff, v0;
	s17 =	sadd.s32 $0x1020, s17;
	s19 =	sadd.s32 $0x1000, s19  }
.Ltmp5:
0x39: {  	(pc) =	sbr.rel .LBB1_7-.Ltmp5, $4  }
0x3a: {  	s16 =	sshll.u32 s16, $0xE  }
0x3b: {  	s16 =	sadd.s32 s2, s16  }
0x3c: {  	s15 =	sadd.s32 s15, s16  }
0x3d: {  	[hbm4b:s15+s11] =	stream.strided.scatter [tilespmem:s18], [sflag:$0x2], $0x4000, s12, s11, $0x20;
	[tilespmem:$0x10100] =	vst v63  }
.LBB1_8:
0x3e: {  	_ =	sfence.sel $0x180000  }
0x3f: {  	s2 =	simm.s32 $0x1;
	[bflag:$0x0] =	sbarrier.arrive $0xFFFF  }
0x40: {  	s31 =	simm.s32 $0x2;
	[sflag:s2] =	ssyncpa.u1 $0x1  }
0x41: {  	[sflag:s31] =	ssyncpa.u1 $0x1  }
0x42: {  	p0 =	sne.s32 s0, $0x0;
	_ =	strace $0x9000004A  }
0x43: {  	s0 =	sadd.s32 @!p0 $0x100000, s1;
	[bflag:$0x2] =	sbarrier.arrive $0xFFFF  }
0x44: {  	[sflag:s0] =	ssyncadd.tile.s32 @!p0 $0x1;
	_ =	shalt  }
.Lfunc_end1:
_tile_overlayer_lowered:
.L_overlay_start_2:
0x45: {  	(tag) =	ssettag $0x2  }
0x46: {  	s0 =	rddreg [dreg:$0x0];
	s2 =	stileid.u32  }
0x47: {  	s1 =	rddreg [dreg:$0x1];
	p0 =	sne.s32 s2, $0x0  }
0x48: {  	s3 =	rddreg [dreg:$0x2];
	[bflag:$0x3] =	sbarrier.arrive $0xFFFF;
	s2 =	simm.s32 @!p0 $0x1C01  }
0x49: {  	[timem:s3], [sflag:s2] =	dma.local @!p0 [hbm:s0], s1  }
0x4a: {  	s0 =	simm.s32 @!p0 $0x1  }
0x4b: {  	_ =	swait.ge @!p0 [sflag:s0], s1  }
0x4c: {  	s1 =	ssub.s32 @!p0 $0x0, s1;
	[sflag:s0] =	ssyncset.done @!p0 $0x0  }
0x4d: {  	[sflag:s0] =	ssyncadd.s32 @!p0 s1  }
0x4e: {  	[bflag:$0x3] =	sbarrier.arrive $0xFFFF  }
0x4f: {  	_ =	shalt  }

</sc_bundles>
